<compile_context>
chip_gen: v7x
topology: tpu7x:2x2x1
jax: 0.10.2.dev20260603
libtpu: 0.0.44.dev20260713+nightly
codegen_flags: <defaults>
</compile_context>

<pallas_src>
import functools

import jax
import jax.numpy as jnp
from jax import lax
from jax.experimental import pallas as pl
from jax.experimental.pallas import tpu as pltpu
from jax.experimental.pallas import tpu_sc as plsc

TILE_B = 2048


def _argmax_body(xt_ref, idx_ref):
    xt = xt_ref[:]
    in_dim = xt.shape[0]
    iota = lax.broadcasted_iota(jnp.int32, xt.shape, 0)
    m = jnp.max(xt, axis=0, keepdims=True)
    idx_ref[:] = jnp.min(jnp.where(xt == m, iota, in_dim), axis=0)


def _mlp_body(e_ref, w1_ref, b1_ref, w2_ref, b2_ref, wfc_ref, _buf_ref,
              out_ref):
    e = e_ref[:]
    ht = lax.dot_general(w1_ref[:], e, (((1,), (1,)), ((), ())),
                         preferred_element_type=jnp.float32)
    h = jnp.maximum(ht + b1_ref[:], 0.0)
    f = jnp.dot(w2_ref[:], h, preferred_element_type=jnp.float32) + b2_ref[:]
    logits = jnp.dot(wfc_ref[:], f, preferred_element_type=jnp.float32)
    lm = jnp.max(logits, axis=0, keepdims=True)
    p = jnp.exp(logits - lm)
    out_ref[:] = p / jnp.sum(p, axis=0, keepdims=True)


def _make_sc_gather(batch, emb_dim):
    info = plsc.get_sparse_core_info()
    nc, ns = info.num_cores, info.num_subcores
    nw = nc * ns
    b_per_w = batch // nw
    n_chunks = b_per_w // 128
    mesh = plsc.VectorSubcoreMesh(core_axis_name="c", subcore_axis_name="s")

    @functools.partial(
        pl.kernel,
        out_type=jax.ShapeDtypeStruct((batch, emb_dim), jnp.float32),
        mesh=mesh,
        compiler_params=pltpu.CompilerParams(use_tc_tiling_on_sc=False),
        scratch_types=[
            pltpu.VMEM((b_per_w,), jnp.int32),
            pltpu.VMEM((b_per_w, emb_dim), jnp.float32),
            pltpu.SemaphoreType.DMA,
        ],
    )
    def gather(emb_hbm, idx_hbm, out_hbm, idx_v, rows_v, sem):
        wid = lax.axis_index("s") * nc + lax.axis_index("c")
        base = wid * b_per_w
        pltpu.sync_copy(idx_hbm.at[pl.ds(base, b_per_w)], idx_v)
        copies = [
            pltpu.async_copy(
                emb_hbm.at[idx_v.at[pl.ds(j * 128, 128)]],
                rows_v.at[pl.ds(j * 128, 128)],
                sem,
            )
            for j in range(n_chunks)
        ]
        for c in copies:
            c.wait()
        pltpu.sync_copy(rows_v, out_hbm.at[pl.ds(base, b_per_w)])

    return gather


N_CHUNKS = 2


@jax.jit
def kernel(x, emb, W1, b1, W2, b2, Wfc):
    batch, in_dim = x.shape
    emb_dim = emb.shape[1]
    hid = W1.shape[0]
    out_dim = Wfc.shape[0]
    cb = batch // N_CHUNKS
    grid = cb // TILE_B

    xt = x.T
    b1c = b1.reshape(hid, 1)
    b2c = b2.reshape(hid, 1)

    sc_gather = _make_sc_gather(cb, emb_dim)
    full = lambda shape: pl.BlockSpec(shape, lambda i: (0, 0))

    idxs = [
        pl.pallas_call(
            _argmax_body,
            grid=(grid,),
            in_specs=[
                pl.BlockSpec((in_dim, TILE_B), lambda i, c=c: (0, c * grid + i))
            ],
            out_specs=pl.BlockSpec((TILE_B,), lambda i: (i,)),
            out_shape=jax.ShapeDtypeStruct((cb,), jnp.int32),
        )(xt)
        for c in range(N_CHUNKS)
    ]
    es = [sc_gather(emb, idx) for idx in idxs]

    outt = None
    for c, e in enumerate(es):
        args = [e, W1, b1c, W2, b2c, Wfc]
        in_specs = [
            pl.BlockSpec((TILE_B, emb_dim), lambda i: (i, 0)),
            full(W1.shape),
            full(b1c.shape),
            full(W2.shape),
            full(b2c.shape),
            full(Wfc.shape),
        ]
        kwargs = {}
        if c > 0:
            args.append(outt)
            in_specs.append(pl.BlockSpec(memory_space=pl.ANY))
            kwargs["input_output_aliases"] = {len(args) - 1: 0}
            body = _mlp_body
        else:
            body = lambda *refs: _mlp_body(*refs[:-1], None, refs[-1])
        outt = pl.pallas_call(
            body,
            grid=(grid,),
            in_specs=in_specs,
            out_specs=pl.BlockSpec((out_dim, TILE_B),
                                   lambda i, c=c: (0, c * grid + i)),
            out_shape=jax.ShapeDtypeStruct((out_dim, batch), jnp.float32),
            **kwargs,
        )(*args)
    return outt.T

# --- scband reference (transcript-rebuilt; emitter-appended) ---
"""Pipeline reference for scband-softmax-policy-44178033606951 (READ-ONLY COPY).

The authoritative reference and input builder live on the scoring server;
editing this copy changes nothing except your own understanding.
"""

import jax, jax.numpy as jnp
import numpy as np

INPUT_DIM = 1000
OUTPUT_DIM = 1000
EMB_DIM = 16
HID_DIM = 32
BATCH = 16384


def setup_inputs(seed: int = 0) -> dict:
    key = jax.random.key(seed)
    ks = jax.random.split(key, 8)
    x = jax.random.normal(ks[0], (BATCH, INPUT_DIM), dtype=jnp.float32)
    emb = jax.random.normal(ks[1], (INPUT_DIM, EMB_DIM), dtype=jnp.float32) * 0.02
    W1 = jax.random.normal(ks[2], (HID_DIM, EMB_DIM), dtype=jnp.float32) * (1.0 / np.sqrt(EMB_DIM))
    b1 = jnp.zeros((HID_DIM,), dtype=jnp.float32)
    W2 = jax.random.normal(ks[3], (HID_DIM, HID_DIM), dtype=jnp.float32) * (1.0 / np.sqrt(HID_DIM))
    b2 = jnp.zeros((HID_DIM,), dtype=jnp.float32)
    Wfc = jax.random.normal(ks[4], (OUTPUT_DIM, HID_DIM), dtype=jnp.float32) * (1.0 / np.sqrt(HID_DIM))
    return {"x": x, "emb": emb, "W1": W1, "b1": b1, "W2": W2, "b2": b2, "Wfc": Wfc}


def reference(x, emb, W1, b1, W2, b2, Wfc):
    # x_embedded = embedding(x.argmax(dim=1))
    idx = jnp.argmax(x, axis=1)
    x_embedded = jnp.take(emb, idx, axis=0)
    # mlp: Linear(emb,hid) -> ReLU -> Linear(hid,hid)
    h = jax.nn.relu(x_embedded @ W1.T + b1)
    features = h @ W2.T + b2
    # fc (no bias) + softmax over dim=1
    logits = features @ Wfc.T
    return jax.nn.softmax(logits, axis=1)

if __name__ == "__main__":
    import jax
    _d = setup_inputs()
    print(jax.jit(kernel)(*tuple(_d.values())))

</pallas_src>

<mosaic_0001>
#map = affine_map<(d0, d1) -> (0, 0)>
#map1 = affine_map<(d0, d1) -> (0)>
module attributes {stable_mosaic.version = 14 : i64} {
  func.func @gather(%arg0: i32, %arg1: i32, %arg2: memref<1000x16xf32, #tpu.memory_space<hbm>>, %arg3: memref<8192xi32, #tpu.memory_space<hbm>>, %arg4: memref<8192x16xf32, #tpu.memory_space<hbm>>, %arg5: memref<256xi32, #tpu.memory_space<vmem>>, %arg6: memref<256x16xf32, #tpu.memory_space<vmem>>, %arg7: memref<!tpu.dma_semaphore, #tpu.memory_space<semaphore_mem>>) attributes {dimension_semantics = [#tpu.dimension_semantics<core_parallel>, #tpu.dimension_semantics<subcore_parallel>], iteration_bounds = array<i64: 2, 16>, scalar_prefetch = 0 : i64, scratch_operands = 3 : i64, tpu.core_type = #tpu.core_type<sc_vector_subcore>, window_params = [{transform_indices = #map}, {transform_indices = #map1}, {transform_indices = #map}]} {
    %mul3A = arith.constant 2 : i32
    %mul3A_0 = arith.muli %arg1, %mul3A : i32
    %add3A = arith.addi %mul3A_0, %arg0 : i32
    %mul3A_1 = arith.constant 256 : i32
    %mul3A_2 = arith.muli %add3A, %mul3A_1 : i32
    "tpu.region"() ({
      %run_scoped3A = tpu.sem_alloc : memref<!tpu.dma_semaphore, #tpu.memory_space<semaphore_mem>>
      %dma_start3A_33 = tpu.memref_slice %arg3[%mul3A_2] : memref<8192xi32, #tpu.memory_space<hbm>> -> memref<256xi32, #tpu.memory_space<hbm>>
      %dma_start3A_34 = tpu.memref_slice %arg3[%mul3A_2] : memref<8192xi32, #tpu.memory_space<hbm>> -> memref<256xi32, #tpu.memory_space<hbm>>
      tpu.enqueue_dma source(%dma_start3A_34 : memref<256xi32, #tpu.memory_space<hbm>>) target(%arg5 : memref<256xi32, #tpu.memory_space<vmem>>) target_semaphore(%run_scoped3A : memref<!tpu.dma_semaphore, #tpu.memory_space<semaphore_mem>>)
      %dma_wait3A_35 = tpu.memref_slice %arg3[%mul3A_2] : memref<8192xi32, #tpu.memory_space<hbm>> -> memref<256xi32, #tpu.memory_space<hbm>>
      %dma_wait3A_36 = tpu.memref_slice %arg3[%mul3A_2] : memref<8192xi32, #tpu.memory_space<hbm>> -> memref<256xi32, #tpu.memory_space<hbm>>
      tpu.wait_dma2 semaphore(%run_scoped3A : memref<!tpu.dma_semaphore, #tpu.memory_space<semaphore_mem>>) src(%dma_wait3A_36 : memref<256xi32, #tpu.memory_space<hbm>>) dst(%arg5 : memref<256xi32, #tpu.memory_space<vmem>>)
      tpu.yield
    }) : () -> ()
    %dma_start3A = arith.constant 0 : i32
    %dma_start3A_3 = arith.constant 0 : i32
    %dma_start3A_4 = tpu.memref_slice %arg6[%dma_start3A, %dma_start3A_3] : memref<256x16xf32, #tpu.memory_space<vmem>> -> memref<128x16xf32, #tpu.memory_space<vmem>>
    %dma_start3A_5 = arith.constant 0 : i32
    %dma_start3A_6 = tpu.memref_slice %arg5[%dma_start3A_5] : memref<256xi32, #tpu.memory_space<vmem>> -> memref<128xi32, #tpu.memory_space<vmem>>
    %dma_start3A_7 = arith.constant 0 : i32
    %dma_start3A_8 = arith.constant 0 : i32
    %dma_start3A_9 = tpu.memref_slice %arg2[%dma_start3A_7, %dma_start3A_8] : memref<1000x16xf32, #tpu.memory_space<hbm>> -> memref<1000x16xf32, #tpu.memory_space<hbm>>
    tpu.enqueue_indirect_dma source(%dma_start3A_9 : memref<1000x16xf32, #tpu.memory_space<hbm>>) target(%dma_start3A_4 : memref<128x16xf32, #tpu.memory_space<vmem>>) offsets(%dma_start3A_6 : memref<128xi32, #tpu.memory_space<vmem>>) semaphore(%arg7 : memref<!tpu.dma_semaphore, #tpu.memory_space<semaphore_mem>>)
    %dma_start3A_10 = arith.constant 128 : i32
    %dma_start3A_11 = arith.constant 0 : i32
    %dma_start3A_12 = tpu.memref_slice %arg6[%dma_start3A_10, %dma_start3A_11] : memref<256x16xf32, #tpu.memory_space<vmem>> -> memref<128x16xf32, #tpu.memory_space<vmem>>
    %dma_start3A_13 = arith.constant 128 : i32
    %dma_start3A_14 = tpu.memref_slice %arg5[%dma_start3A_13] : memref<256xi32, #tpu.memory_space<vmem>> -> memref<128xi32, #tpu.memory_space<vmem>>
    %dma_start3A_15 = arith.constant 0 : i32
    %dma_start3A_16 = arith.constant 0 : i32
    %dma_start3A_17 = tpu.memref_slice %arg2[%dma_start3A_15, %dma_start3A_16] : memref<1000x16xf32, #tpu.memory_space<hbm>> -> memref<1000x16xf32, #tpu.memory_space<hbm>>
    tpu.enqueue_indirect_dma source(%dma_start3A_17 : memref<1000x16xf32, #tpu.memory_space<hbm>>) target(%dma_start3A_12 : memref<128x16xf32, #tpu.memory_space<vmem>>) offsets(%dma_start3A_14 : memref<128xi32, #tpu.memory_space<vmem>>) semaphore(%arg7 : memref<!tpu.dma_semaphore, #tpu.memory_space<semaphore_mem>>)
    %dma_wait3A = arith.constant 0 : i32
    %dma_wait3A_18 = arith.constant 0 : i32
    %dma_wait3A_19 = tpu.memref_slice %arg6[%dma_wait3A, %dma_wait3A_18] : memref<256x16xf32, #tpu.memory_space<vmem>> -> memref<128x16xf32, #tpu.memory_space<vmem>>
    %dma_wait3A_20 = arith.constant 0 : i32
    %dma_wait3A_21 = tpu.memref_slice %arg5[%dma_wait3A_20] : memref<256xi32, #tpu.memory_space<vmem>> -> memref<128xi32, #tpu.memory_space<vmem>>
    %dma_wait3A_22 = arith.constant 0 : i32
    %dma_wait3A_23 = arith.constant 0 : i32
    %dma_wait3A_24 = tpu.memref_slice %arg2[%dma_wait3A_22, %dma_wait3A_23] : memref<1000x16xf32, #tpu.memory_space<hbm>> -> memref<1000x16xf32, #tpu.memory_space<hbm>>
    tpu.wait_indirect_dma semaphore(%arg7 : memref<!tpu.dma_semaphore, #tpu.memory_space<semaphore_mem>>) src(%dma_wait3A_24 : memref<1000x16xf32, #tpu.memory_space<hbm>>) dst(%dma_wait3A_19 : memref<128x16xf32, #tpu.memory_space<vmem>>)
    %dma_wait3A_25 = arith.constant 128 : i32
    %dma_wait3A_26 = arith.constant 0 : i32
    %dma_wait3A_27 = tpu.memref_slice %arg6[%dma_wait3A_25, %dma_wait3A_26] : memref<256x16xf32, #tpu.memory_space<vmem>> -> memref<128x16xf32, #tpu.memory_space<vmem>>
    %dma_wait3A_28 = arith.constant 128 : i32
    %dma_wait3A_29 = tpu.memref_slice %arg5[%dma_wait3A_28] : memref<256xi32, #tpu.memory_space<vmem>> -> memref<128xi32, #tpu.memory_space<vmem>>
    %dma_wait3A_30 = arith.constant 0 : i32
    %dma_wait3A_31 = arith.constant 0 : i32
    %dma_wait3A_32 = tpu.memref_slice %arg2[%dma_wait3A_30, %dma_wait3A_31] : memref<1000x16xf32, #tpu.memory_space<hbm>> -> memref<1000x16xf32, #tpu.memory_space<hbm>>
    tpu.wait_indirect_dma semaphore(%arg7 : memref<!tpu.dma_semaphore, #tpu.memory_space<semaphore_mem>>) src(%dma_wait3A_32 : memref<1000x16xf32, #tpu.memory_space<hbm>>) dst(%dma_wait3A_27 : memref<128x16xf32, #tpu.memory_space<vmem>>)
    "tpu.region"() ({
      %run_scoped3A = tpu.sem_alloc : memref<!tpu.dma_semaphore, #tpu.memory_space<semaphore_mem>>
      %dma_start3A_33 = arith.constant 0 : i32
      %dma_start3A_34 = tpu.memref_slice %arg4[%mul3A_2, %dma_start3A_33] : memref<8192x16xf32, #tpu.memory_space<hbm>> -> memref<256x16xf32, #tpu.memory_space<hbm>>
      %dma_start3A_35 = arith.constant 0 : i32
      %dma_start3A_36 = tpu.memref_slice %arg4[%mul3A_2, %dma_start3A_35] : memref<8192x16xf32, #tpu.memory_space<hbm>> -> memref<256x16xf32, #tpu.memory_space<hbm>>
      tpu.enqueue_dma source(%arg6 : memref<256x16xf32, #tpu.memory_space<vmem>>) target(%dma_start3A_36 : memref<256x16xf32, #tpu.memory_space<hbm>>) target_semaphore(%run_scoped3A : memref<!tpu.dma_semaphore, #tpu.memory_space<semaphore_mem>>)
      %dma_wait3A_37 = arith.constant 0 : i32
      %dma_wait3A_38 = tpu.memref_slice %arg4[%mul3A_2, %dma_wait3A_37] : memref<8192x16xf32, #tpu.memory_space<hbm>> -> memref<256x16xf32, #tpu.memory_space<hbm>>
      %dma_wait3A_39 = arith.constant 0 : i32
      %dma_wait3A_40 = tpu.memref_slice %arg4[%mul3A_2, %dma_wait3A_39] : memref<8192x16xf32, #tpu.memory_space<hbm>> -> memref<256x16xf32, #tpu.memory_space<hbm>>
      tpu.wait_dma2 semaphore(%run_scoped3A : memref<!tpu.dma_semaphore, #tpu.memory_space<semaphore_mem>>) src(%arg6 : memref<256x16xf32, #tpu.memory_space<vmem>>) dst(%dma_wait3A_40 : memref<256x16xf32, #tpu.memory_space<hbm>>)
      tpu.yield
    }) : () -> ()
    return
  }
}

#map = affine_map<(d0, d1) -> (0, 0)>
#map1 = affine_map<(d0, d1) -> (0)>
module attributes {stable_mosaic.version = 14 : i64} {
  func.func @gather(%arg0: i32, %arg1: i32, %arg2: memref<1000x16xf32, #tpu.memory_space<hbm>>, %arg3: memref<8192xi32, #tpu.memory_space<hbm>>, %arg4: memref<8192x16xf32, #tpu.memory_space<hbm>>, %arg5: memref<256xi32, #tpu.memory_space<vmem>>, %arg6: memref<256x16xf32, #tpu.memory_space<vmem>>, %arg7: memref<!tpu.dma_semaphore, #tpu.memory_space<semaphore_mem>>) attributes {dimension_semantics = [#tpu.dimension_semantics<core_parallel>, #tpu.dimension_semantics<subcore_parallel>], iteration_bounds = array<i64: 2, 16>, scalar_prefetch = 0 : i64, scratch_operands = 3 : i64, tpu.core_type = #tpu.core_type<sc_vector_subcore>, window_params = [{transform_indices = #map}, {transform_indices = #map1}, {transform_indices = #map}]} {
    %mul3A = arith.constant 2 : i32
    %mul3A_0 = arith.muli %arg1, %mul3A : i32
    %add3A = arith.addi %mul3A_0, %arg0 : i32
    %mul3A_1 = arith.constant 256 : i32
    %mul3A_2 = arith.muli %add3A, %mul3A_1 : i32
    "tpu.region"() ({
      %run_scoped3A = tpu.sem_alloc : memref<!tpu.dma_semaphore, #tpu.memory_space<semaphore_mem>>
      %dma_start3A_33 = tpu.memref_slice %arg3[%mul3A_2] : memref<8192xi32, #tpu.memory_space<hbm>> -> memref<256xi32, #tpu.memory_space<hbm>>
      %dma_start3A_34 = tpu.memref_slice %arg3[%mul3A_2] : memref<8192xi32, #tpu.memory_space<hbm>> -> memref<256xi32, #tpu.memory_space<hbm>>
      tpu.enqueue_dma source(%dma_start3A_34 : memref<256xi32, #tpu.memory_space<hbm>>) target(%arg5 : memref<256xi32, #tpu.memory_space<vmem>>) target_semaphore(%run_scoped3A : memref<!tpu.dma_semaphore, #tpu.memory_space<semaphore_mem>>)
      %dma_wait3A_35 = tpu.memref_slice %arg3[%mul3A_2] : memref<8192xi32, #tpu.memory_space<hbm>> -> memref<256xi32, #tpu.memory_space<hbm>>
      %dma_wait3A_36 = tpu.memref_slice %arg3[%mul3A_2] : memref<8192xi32, #tpu.memory_space<hbm>> -> memref<256xi32, #tpu.memory_space<hbm>>
      tpu.wait_dma2 semaphore(%run_scoped3A : memref<!tpu.dma_semaphore, #tpu.memory_space<semaphore_mem>>) src(%dma_wait3A_36 : memref<256xi32, #tpu.memory_space<hbm>>) dst(%arg5 : memref<256xi32, #tpu.memory_space<vmem>>)
      tpu.yield
    }) : () -> ()
    %dma_start3A = arith.constant 0 : i32
    %dma_start3A_3 = arith.constant 0 : i32
    %dma_start3A_4 = tpu.memref_slice %arg6[%dma_start3A, %dma_start3A_3] : memref<256x16xf32, #tpu.memory_space<vmem>> -> memref<128x16xf32, #tpu.memory_space<vmem>>
    %dma_start3A_5 = arith.constant 0 : i32
    %dma_start3A_6 = tpu.memref_slice %arg5[%dma_start3A_5] : memref<256xi32, #tpu.memory_space<vmem>> -> memref<128xi32, #tpu.memory_space<vmem>>
    %dma_start3A_7 = arith.constant 0 : i32
    %dma_start3A_8 = arith.constant 0 : i32
    %dma_start3A_9 = tpu.memref_slice %arg2[%dma_start3A_7, %dma_start3A_8] : memref<1000x16xf32, #tpu.memory_space<hbm>> -> memref<1000x16xf32, #tpu.memory_space<hbm>>
    tpu.enqueue_indirect_dma source(%dma_start3A_9 : memref<1000x16xf32, #tpu.memory_space<hbm>>) target(%dma_start3A_4 : memref<128x16xf32, #tpu.memory_space<vmem>>) offsets(%dma_start3A_6 : memref<128xi32, #tpu.memory_space<vmem>>) semaphore(%arg7 : memref<!tpu.dma_semaphore, #tpu.memory_space<semaphore_mem>>)
    %dma_start3A_10 = arith.constant 128 : i32
    %dma_start3A_11 = arith.constant 0 : i32
    %dma_start3A_12 = tpu.memref_slice %arg6[%dma_start3A_10, %dma_start3A_11] : memref<256x16xf32, #tpu.memory_space<vmem>> -> memref<128x16xf32, #tpu.memory_space<vmem>>
    %dma_start3A_13 = arith.constant 128 : i32
    %dma_start3A_14 = tpu.memref_slice %arg5[%dma_start3A_13] : memref<256xi32, #tpu.memory_space<vmem>> -> memref<128xi32, #tpu.memory_space<vmem>>
    %dma_start3A_15 = arith.constant 0 : i32
    %dma_start3A_16 = arith.constant 0 : i32
    %dma_start3A_17 = tpu.memref_slice %arg2[%dma_start3A_15, %dma_start3A_16] : memref<1000x16xf32, #tpu.memory_space<hbm>> -> memref<1000x16xf32, #tpu.memory_space<hbm>>
    tpu.enqueue_indirect_dma source(%dma_start3A_17 : memref<1000x16xf32, #tpu.memory_space<hbm>>) target(%dma_start3A_12 : memref<128x16xf32, #tpu.memory_space<vmem>>) offsets(%dma_start3A_14 : memref<128xi32, #tpu.memory_space<vmem>>) semaphore(%arg7 : memref<!tpu.dma_semaphore, #tpu.memory_space<semaphore_mem>>)
    %dma_wait3A = arith.constant 0 : i32
    %dma_wait3A_18 = arith.constant 0 : i32
    %dma_wait3A_19 = tpu.memref_slice %arg6[%dma_wait3A, %dma_wait3A_18] : memref<256x16xf32, #tpu.memory_space<vmem>> -> memref<128x16xf32, #tpu.memory_space<vmem>>
    %dma_wait3A_20 = arith.constant 0 : i32
    %dma_wait3A_21 = tpu.memref_slice %arg5[%dma_wait3A_20] : memref<256xi32, #tpu.memory_space<vmem>> -> memref<128xi32, #tpu.memory_space<vmem>>
    %dma_wait3A_22 = arith.constant 0 : i32
    %dma_wait3A_23 = arith.constant 0 : i32
    %dma_wait3A_24 = tpu.memref_slice %arg2[%dma_wait3A_22, %dma_wait3A_23] : memref<1000x16xf32, #tpu.memory_space<hbm>> -> memref<1000x16xf32, #tpu.memory_space<hbm>>
    tpu.wait_indirect_dma semaphore(%arg7 : memref<!tpu.dma_semaphore, #tpu.memory_space<semaphore_mem>>) src(%dma_wait3A_24 : memref<1000x16xf32, #tpu.memory_space<hbm>>) dst(%dma_wait3A_19 : memref<128x16xf32, #tpu.memory_space<vmem>>)
    %dma_wait3A_25 = arith.constant 128 : i32
    %dma_wait3A_26 = arith.constant 0 : i32
    %dma_wait3A_27 = tpu.memref_slice %arg6[%dma_wait3A_25, %dma_wait3A_26] : memref<256x16xf32, #tpu.memory_space<vmem>> -> memref<128x16xf32, #tpu.memory_space<vmem>>
    %dma_wait3A_28 = arith.constant 128 : i32
    %dma_wait3A_29 = tpu.memref_slice %arg5[%dma_wait3A_28] : memref<256xi32, #tpu.memory_space<vmem>> -> memref<128xi32, #tpu.memory_space<vmem>>
    %dma_wait3A_30 = arith.constant 0 : i32
    %dma_wait3A_31 = arith.constant 0 : i32
    %dma_wait3A_32 = tpu.memref_slice %arg2[%dma_wait3A_30, %dma_wait3A_31] : memref<1000x16xf32, #tpu.memory_space<hbm>> -> memref<1000x16xf32, #tpu.memory_space<hbm>>
    tpu.wait_indirect_dma semaphore(%arg7 : memref<!tpu.dma_semaphore, #tpu.memory_space<semaphore_mem>>) src(%dma_wait3A_32 : memref<1000x16xf32, #tpu.memory_space<hbm>>) dst(%dma_wait3A_27 : memref<128x16xf32, #tpu.memory_space<vmem>>)
    "tpu.region"() ({
      %run_scoped3A = tpu.sem_alloc : memref<!tpu.dma_semaphore, #tpu.memory_space<semaphore_mem>>
      %dma_start3A_33 = arith.constant 0 : i32
      %dma_start3A_34 = tpu.memref_slice %arg4[%mul3A_2, %dma_start3A_33] : memref<8192x16xf32, #tpu.memory_space<hbm>> -> memref<256x16xf32, #tpu.memory_space<hbm>>
      %dma_start3A_35 = arith.constant 0 : i32
      %dma_start3A_36 = tpu.memref_slice %arg4[%mul3A_2, %dma_start3A_35] : memref<8192x16xf32, #tpu.memory_space<hbm>> -> memref<256x16xf32, #tpu.memory_space<hbm>>
      tpu.enqueue_dma source(%arg6 : memref<256x16xf32, #tpu.memory_space<vmem>>) target(%dma_start3A_36 : memref<256x16xf32, #tpu.memory_space<hbm>>) target_semaphore(%run_scoped3A : memref<!tpu.dma_semaphore, #tpu.memory_space<semaphore_mem>>)
      %dma_wait3A_37 = arith.constant 0 : i32
      %dma_wait3A_38 = tpu.memref_slice %arg4[%mul3A_2, %dma_wait3A_37] : memref<8192x16xf32, #tpu.memory_space<hbm>> -> memref<256x16xf32, #tpu.memory_space<hbm>>
      %dma_wait3A_39 = arith.constant 0 : i32
      %dma_wait3A_40 = tpu.memref_slice %arg4[%mul3A_2, %dma_wait3A_39] : memref<8192x16xf32, #tpu.memory_space<hbm>> -> memref<256x16xf32, #tpu.memory_space<hbm>>
      tpu.wait_dma2 semaphore(%run_scoped3A : memref<!tpu.dma_semaphore, #tpu.memory_space<semaphore_mem>>) src(%arg6 : memref<256x16xf32, #tpu.memory_space<vmem>>) dst(%dma_wait3A_40 : memref<256x16xf32, #tpu.memory_space<hbm>>)
      tpu.yield
    }) : () -> ()
    return
  }
}

module attributes {stable_mosaic.version = 14 : i64} {
  func.func @_argmax_body(%arg0: i32, %arg1: memref<1000x2048xf32, #tpu.memory_space<vmem>>, %arg2: memref<2048xi32, #tpu.memory_space<vmem>>) attributes {dimension_semantics = [#tpu.dimension_semantics<arbitrary>], iteration_bounds = array<i64: 4>, scalar_prefetch = 0 : i64, scratch_operands = 0 : i64, tpu.core_type = #tpu.core_type<tc>, window_params = [{transform_indices = @transform_0, window_bounds = array<i64: 1000, 2048>}, {transform_indices = @transform_1, window_bounds = array<i64: 2048>}]} {
    %get3A = arith.constant 0 : index
    %get3A_0 = arith.constant 0 : index
    %get3A_1 = vector.load %arg1[%get3A, %get3A_0] : memref<1000x2048xf32, #tpu.memory_space<vmem>>, vector<1000x2048xf32>
    %iota3A = tpu.iota {dimensions = array<i32: 0>} : vector<1000x2048xi32>
    %reduce_max3A = arith.constant dense<0xFF800000> : vector<2048xf32>
    %reduce_max3A_2 = vector.multi_reduction <maximumf>, %get3A_1, %reduce_max3A [0] : vector<1000x2048xf32> to vector<2048xf32>
    %broadcast_in_dim3A = vector.shape_cast %reduce_max3A_2 : vector<2048xf32> to vector<1x2048xf32>
    %eq3A = vector.broadcast %broadcast_in_dim3A : vector<1x2048xf32> to vector<1000x2048xf32>
    %eq3A_3 = arith.cmpf oeq, %get3A_1, %eq3A : vector<1000x2048xf32>
    %jit3A = arith.constant 1000 : i32
    %broadcast_in_dim3A_4 = vector.broadcast %jit3A : i32 to vector<1000x2048xi32>
    %select_n3A = arith.select %eq3A_3, %iota3A, %broadcast_in_dim3A_4 : vector<1000x2048xi1>, vector<1000x2048xi32>
    %reduce_min3A = arith.constant dense<2147483647> : vector<2048xi32>
    %reduce_min3A_5 = vector.multi_reduction <minsi>, %select_n3A, %reduce_min3A [0] : vector<1000x2048xi32> to vector<2048xi32>
    %swap3A = arith.constant 0 : index
    %swap3A_6 = vector.load %arg2[%swap3A] : memref<2048xi32, #tpu.memory_space<vmem>>, vector<2048xi32>
    tpu.vector_store %arg2[%swap3A], %reduce_min3A_5 {strides = array<i32>} : memref<2048xi32, #tpu.memory_space<vmem>>, vector<2048xi32>,
    return
  }
  func.func @transform_0(%arg0: i32) -> (i32, i32) {
    %add3A = arith.constant 0 : i32
    %add3A_0 = arith.addi %add3A, %arg0 : i32
    %c0_i32 = arith.constant 0 : i32
    %c0_i32_1 = arith.constant 0 : i32
    return %c0_i32, %add3A_0 : i32, i32
  }
  func.func @transform_1(%arg0: i32) -> i32 {
    %c0_i32 = arith.constant 0 : i32
    return %arg0 : i32
  }
}

module attributes {stable_mosaic.version = 14 : i64} {
  func.func @_argmax_body(%arg0: i32, %arg1: memref<1000x2048xf32, #tpu.memory_space<vmem>>, %arg2: memref<2048xi32, #tpu.memory_space<vmem>>) attributes {dimension_semantics = [#tpu.dimension_semantics<arbitrary>], iteration_bounds = array<i64: 4>, scalar_prefetch = 0 : i64, scratch_operands = 0 : i64, tpu.core_type = #tpu.core_type<tc>, window_params = [{transform_indices = @transform_0, window_bounds = array<i64: 1000, 2048>}, {transform_indices = @transform_1, window_bounds = array<i64: 2048>}]} {
    %get3A = arith.constant 0 : index
    %get3A_0 = arith.constant 0 : index
    %get3A_1 = vector.load %arg1[%get3A, %get3A_0] : memref<1000x2048xf32, #tpu.memory_space<vmem>>, vector<1000x2048xf32>
    %iota3A = tpu.iota {dimensions = array<i32: 0>} : vector<1000x2048xi32>
    %reduce_max3A = arith.constant dense<0xFF800000> : vector<2048xf32>
    %reduce_max3A_2 = vector.multi_reduction <maximumf>, %get3A_1, %reduce_max3A [0] : vector<1000x2048xf32> to vector<2048xf32>
    %broadcast_in_dim3A = vector.shape_cast %reduce_max3A_2 : vector<2048xf32> to vector<1x2048xf32>
    %eq3A = vector.broadcast %broadcast_in_dim3A : vector<1x2048xf32> to vector<1000x2048xf32>
    %eq3A_3 = arith.cmpf oeq, %get3A_1, %eq3A : vector<1000x2048xf32>
    %jit3A = arith.constant 1000 : i32
    %broadcast_in_dim3A_4 = vector.broadcast %jit3A : i32 to vector<1000x2048xi32>
    %select_n3A = arith.select %eq3A_3, %iota3A, %broadcast_in_dim3A_4 : vector<1000x2048xi1>, vector<1000x2048xi32>
    %reduce_min3A = arith.constant dense<2147483647> : vector<2048xi32>
    %reduce_min3A_5 = vector.multi_reduction <minsi>, %select_n3A, %reduce_min3A [0] : vector<1000x2048xi32> to vector<2048xi32>
    %swap3A = arith.constant 0 : index
    %swap3A_6 = vector.load %arg2[%swap3A] : memref<2048xi32, #tpu.memory_space<vmem>>, vector<2048xi32>
    tpu.vector_store %arg2[%swap3A], %reduce_min3A_5 {strides = array<i32>} : memref<2048xi32, #tpu.memory_space<vmem>>, vector<2048xi32>,
    return
  }
  func.func @transform_0(%arg0: i32) -> (i32, i32) {
    %add3A = arith.constant 4 : i32
    %add3A_0 = arith.addi %add3A, %arg0 : i32
    %c0_i32 = arith.constant 0 : i32
    %c0_i32_1 = arith.constant 0 : i32
    return %c0_i32, %add3A_0 : i32, i32
  }
  func.func @transform_1(%arg0: i32) -> i32 {
    %c0_i32 = arith.constant 0 : i32
    return %arg0 : i32
  }
}

module attributes {stable_mosaic.version = 14 : i64} {
  func.func @_lambda_(%arg0: i32, %arg1: memref<2048x16xf32, #tpu.memory_space<vmem>>, %arg2: memref<32x16xf32, #tpu.memory_space<vmem>>, %arg3: memref<32x1xf32, #tpu.memory_space<vmem>>, %arg4: memref<32x32xf32, #tpu.memory_space<vmem>>, %arg5: memref<32x1xf32, #tpu.memory_space<vmem>>, %arg6: memref<1000x32xf32, #tpu.memory_space<vmem>>, %arg7: memref<1000x2048xf32, #tpu.memory_space<vmem>>) attributes {dimension_semantics = [#tpu.dimension_semantics<arbitrary>], iteration_bounds = array<i64: 4>, scalar_prefetch = 0 : i64, scratch_operands = 0 : i64, tpu.core_type = #tpu.core_type<tc>, window_params = [{transform_indices = @transform_0, window_bounds = array<i64: 2048, 16>}, {pipeline_mode = #tpu.pipeline_mode<synchronous>, transform_indices = @transform_1, window_bounds = array<i64: 32, 16>}, {pipeline_mode = #tpu.pipeline_mode<synchronous>, transform_indices = @transform_2, window_bounds = array<i64: 32, 1>}, {pipeline_mode = #tpu.pipeline_mode<synchronous>, transform_indices = @transform_3, window_bounds = array<i64: 32, 32>}, {pipeline_mode = #tpu.pipeline_mode<synchronous>, transform_indices = @transform_4, window_bounds = array<i64: 32, 1>}, {pipeline_mode = #tpu.pipeline_mode<synchronous>, transform_indices = @transform_5, window_bounds = array<i64: 1000, 32>}, {transform_indices = @transform_6, window_bounds = array<i64: 1000, 2048>}]} {
    %get3A = arith.constant 0 : index
    %get3A_0 = arith.constant 0 : index
    %get3A_1 = vector.load %arg1[%get3A, %get3A_0] : memref<2048x16xf32, #tpu.memory_space<vmem>>, vector<2048x16xf32>
    %get3A_2 = arith.constant 0 : index
    %get3A_3 = arith.constant 0 : index
    %get3A_4 = vector.load %arg2[%get3A_2, %get3A_3] : memref<32x16xf32, #tpu.memory_space<vmem>>, vector<32x16xf32>
    %dot_general3A = arith.constant dense<0.000000e+00> : vector<32x2048xf32>
    %dot_general3A_5 = tpu.matmul %get3A_4, %get3A_1, %dot_general3A {dimension_numbers = #tpu.dot_dimension_numbers<[1], [1], [0], [0], [0, 0, 1, 0], [], []>, transpose_lhs_hint = false} : vector<32x16xf32>, vector<2048x16xf32>, vector<32x2048xf32> -> vector<32x2048xf32>
    %get3A_6 = arith.constant 0 : index
    %get3A_7 = arith.constant 0 : index
    %get3A_8 = vector.load %arg3[%get3A_6, %get3A_7] : memref<32x1xf32, #tpu.memory_space<vmem>>, vector<32x1xf32>
    %add3A = vector.broadcast %get3A_8 : vector<32x1xf32> to vector<32x2048xf32>
    %add3A_9 = arith.addf %dot_general3A_5, %add3A : vector<32x2048xf32>
    %max3A = arith.constant 0.000000e+00 : f32
    %max3A_10 = vector.broadcast %max3A : f32 to vector<32x2048xf32>
    %max3A_11 = arith.maximumf %add3A_9, %max3A_10 : vector<32x2048xf32>
    %get3A_12 = arith.constant 0 : index
    %get3A_13 = arith.constant 0 : index
    %get3A_14 = vector.load %arg4[%get3A_12, %get3A_13] : memref<32x32xf32, #tpu.memory_space<vmem>>, vector<32x32xf32>
    %dot_general3A_15 = arith.constant dense<0.000000e+00> : vector<32x2048xf32>
    %dot_general3A_16 = tpu.matmul %get3A_14, %max3A_11, %dot_general3A_15 {dimension_numbers = #tpu.dot_dimension_numbers<[1], [0], [0], [1], [0, 0, 1, 1], [], []>, transpose_lhs_hint = false} : vector<32x32xf32>, vector<32x2048xf32>, vector<32x2048xf32> -> vector<32x2048xf32>
    %get3A_17 = arith.constant 0 : index
    %get3A_18 = arith.constant 0 : index
    %get3A_19 = vector.load %arg5[%get3A_17, %get3A_18] : memref<32x1xf32, #tpu.memory_space<vmem>>, vector<32x1xf32>
    %add3A_20 = vector.broadcast %get3A_19 : vector<32x1xf32> to vector<32x2048xf32>
    %add3A_21 = arith.addf %dot_general3A_16, %add3A_20 : vector<32x2048xf32>
    %get3A_22 = arith.constant 0 : index
    %get3A_23 = arith.constant 0 : index
    %get3A_24 = vector.load %arg6[%get3A_22, %get3A_23] : memref<1000x32xf32, #tpu.memory_space<vmem>>, vector<1000x32xf32>
    %dot_general3A_25 = arith.constant dense<0.000000e+00> : vector<1000x2048xf32>
    %dot_general3A_26 = tpu.matmul %get3A_24, %add3A_21, %dot_general3A_25 {dimension_numbers = #tpu.dot_dimension_numbers<[1], [0], [0], [1], [0, 0, 1, 1], [], []>, transpose_lhs_hint = false} : vector<1000x32xf32>, vector<32x2048xf32>, vector<1000x2048xf32> -> vector<1000x2048xf32>
    %reduce_max3A = arith.constant dense<0xFF800000> : vector<2048xf32>
    %reduce_max3A_27 = vector.multi_reduction <maximumf>, %dot_general3A_26, %reduce_max3A [0] : vector<1000x2048xf32> to vector<2048xf32>
    %broadcast_in_dim3A = vector.shape_cast %reduce_max3A_27 : vector<2048xf32> to vector<1x2048xf32>
    %sub3A = vector.broadcast %broadcast_in_dim3A : vector<1x2048xf32> to vector<1000x2048xf32>
    %sub3A_28 = arith.subf %dot_general3A_26, %sub3A : vector<1000x2048xf32>
    %exp3A = math.exp %sub3A_28 : vector<1000x2048xf32>
    %reduce_sum3A = arith.constant dense<0.000000e+00> : vector<2048xf32>
    %reduce_sum3A_29 = vector.multi_reduction <add>, %exp3A, %reduce_sum3A [0] : vector<1000x2048xf32> to vector<2048xf32>
    %broadcast_in_dim3A_30 = vector.shape_cast %reduce_sum3A_29 : vector<2048xf32> to vector<1x2048xf32>
    %div3A = vector.broadcast %broadcast_in_dim3A_30 : vector<1x2048xf32> to vector<1000x2048xf32>
    %div3A_31 = arith.divf %exp3A, %div3A : vector<1000x2048xf32>
    %swap3A = arith.constant 0 : index
    %swap3A_32 = arith.constant 0 : index
    %swap3A_33 = vector.load %arg7[%swap3A, %swap3A_32] : memref<1000x2048xf32, #tpu.memory_space<vmem>>, vector<1000x2048xf32>
    tpu.vector_store %arg7[%swap3A, %swap3A_32], %div3A_31 {strides = array<i32>} : memref<1000x2048xf32, #tpu.memory_space<vmem>>, vector<1000x2048xf32>,
    return
  }
  func.func @transform_0(%arg0: i32) -> (i32, i32) {
    %c0_i32 = arith.constant 0 : i32
    %c0_i32_0 = arith.constant 0 : i32
    return %arg0, %c0_i32 : i32, i32
  }
  func.func @transform_1(%arg0: i32) -> (i32, i32) {
    %c0_i32 = arith.constant 0 : i32
    %c0_i32_0 = arith.constant 0 : i32
    %c0_i32_1 = arith.constant 0 : i32
    return %c0_i32, %c0_i32_0 : i32, i32
  }
  func.func @transform_2(%arg0: i32) -> (i32, i32) {
    %c0_i32 = arith.constant 0 : i32
    %c0_i32_0 = arith.constant 0 : i32
    %c0_i32_1 = arith.constant 0 : i32
    return %c0_i32, %c0_i32_0 : i32, i32
  }
  func.func @transform_3(%arg0: i32) -> (i32, i32) {
    %c0_i32 = arith.constant 0 : i32
    %c0_i32_0 = arith.constant 0 : i32
    %c0_i32_1 = arith.constant 0 : i32
    return %c0_i32, %c0_i32_0 : i32, i32
  }
  func.func @transform_4(%arg0: i32) -> (i32, i32) {
    %c0_i32 = arith.constant 0 : i32
    %c0_i32_0 = arith.constant 0 : i32
    %c0_i32_1 = arith.constant 0 : i32
    return %c0_i32, %c0_i32_0 : i32, i32
  }
  func.func @transform_5(%arg0: i32) -> (i32, i32) {
    %c0_i32 = arith.constant 0 : i32
    %c0_i32_0 = arith.constant 0 : i32
    %c0_i32_1 = arith.constant 0 : i32
    return %c0_i32, %c0_i32_0 : i32, i32
  }
  func.func @transform_6(%arg0: i32) -> (i32, i32) {
    %add3A = arith.constant 0 : i32
    %add3A_0 = arith.addi %add3A, %arg0 : i32
    %c0_i32 = arith.constant 0 : i32
    %c0_i32_1 = arith.constant 0 : i32
    return %c0_i32, %add3A_0 : i32, i32
  }
}

module attributes {stable_mosaic.version = 14 : i64} {
  func.func @_mlp_body(%arg0: i32, %arg1: memref<2048x16xf32, #tpu.memory_space<vmem>>, %arg2: memref<32x16xf32, #tpu.memory_space<vmem>>, %arg3: memref<32x1xf32, #tpu.memory_space<vmem>>, %arg4: memref<32x32xf32, #tpu.memory_space<vmem>>, %arg5: memref<32x1xf32, #tpu.memory_space<vmem>>, %arg6: memref<1000x32xf32, #tpu.memory_space<vmem>>, %arg7: memref<1000x16384xf32, #tpu.memory_space<any>>, %arg8: memref<1000x2048xf32, #tpu.memory_space<vmem>>) attributes {dimension_semantics = [#tpu.dimension_semantics<arbitrary>], iteration_bounds = array<i64: 4>, scalar_prefetch = 0 : i64, scratch_operands = 0 : i64, tpu.core_type = #tpu.core_type<tc>, window_params = [{transform_indices = @transform_0, window_bounds = array<i64: 2048, 16>}, {pipeline_mode = #tpu.pipeline_mode<synchronous>, transform_indices = @transform_1, window_bounds = array<i64: 32, 16>}, {pipeline_mode = #tpu.pipeline_mode<synchronous>, transform_indices = @transform_2, window_bounds = array<i64: 32, 1>}, {pipeline_mode = #tpu.pipeline_mode<synchronous>, transform_indices = @transform_3, window_bounds = array<i64: 32, 32>}, {pipeline_mode = #tpu.pipeline_mode<synchronous>, transform_indices = @transform_4, window_bounds = array<i64: 32, 1>}, {pipeline_mode = #tpu.pipeline_mode<synchronous>, transform_indices = @transform_5, window_bounds = array<i64: 1000, 32>}, {}, {transform_indices = @transform_7, window_bounds = array<i64: 1000, 2048>}]} {
    %get3A = arith.constant 0 : index
    %get3A_0 = arith.constant 0 : index
    %get3A_1 = vector.load %arg1[%get3A, %get3A_0] : memref<2048x16xf32, #tpu.memory_space<vmem>>, vector<2048x16xf32>
    %get3A_2 = arith.constant 0 : index
    %get3A_3 = arith.constant 0 : index
    %get3A_4 = vector.load %arg2[%get3A_2, %get3A_3] : memref<32x16xf32, #tpu.memory_space<vmem>>, vector<32x16xf32>
    %dot_general3A = arith.constant dense<0.000000e+00> : vector<32x2048xf32>
    %dot_general3A_5 = tpu.matmul %get3A_4, %get3A_1, %dot_general3A {dimension_numbers = #tpu.dot_dimension_numbers<[1], [1], [0], [0], [0, 0, 1, 0], [], []>, transpose_lhs_hint = false} : vector<32x16xf32>, vector<2048x16xf32>, vector<32x2048xf32> -> vector<32x2048xf32>
    %get3A_6 = arith.constant 0 : index
    %get3A_7 = arith.constant 0 : index
    %get3A_8 = vector.load %arg3[%get3A_6, %get3A_7] : memref<32x1xf32, #tpu.memory_space<vmem>>, vector<32x1xf32>
    %add3A = vector.broadcast %get3A_8 : vector<32x1xf32> to vector<32x2048xf32>
    %add3A_9 = arith.addf %dot_general3A_5, %add3A : vector<32x2048xf32>
    %max3A = arith.constant 0.000000e+00 : f32
    %max3A_10 = vector.broadcast %max3A : f32 to vector<32x2048xf32>
    %max3A_11 = arith.maximumf %add3A_9, %max3A_10 : vector<32x2048xf32>
    %get3A_12 = arith.constant 0 : index
    %get3A_13 = arith.constant 0 : index
    %get3A_14 = vector.load %arg4[%get3A_12, %get3A_13] : memref<32x32xf32, #tpu.memory_space<vmem>>, vector<32x32xf32>
    %dot_general3A_15 = arith.constant dense<0.000000e+00> : vector<32x2048xf32>
    %dot_general3A_16 = tpu.matmul %get3A_14, %max3A_11, %dot_general3A_15 {dimension_numbers = #tpu.dot_dimension_numbers<[1], [0], [0], [1], [0, 0, 1, 1], [], []>, transpose_lhs_hint = false} : vector<32x32xf32>, vector<32x2048xf32>, vector<32x2048xf32> -> vector<32x2048xf32>
    %get3A_17 = arith.constant 0 : index
    %get3A_18 = arith.constant 0 : index
    %get3A_19 = vector.load %arg5[%get3A_17, %get3A_18] : memref<32x1xf32, #tpu.memory_space<vmem>>, vector<32x1xf32>
    %add3A_20 = vector.broadcast %get3A_19 : vector<32x1xf32> to vector<32x2048xf32>
    %add3A_21 = arith.addf %dot_general3A_16, %add3A_20 : vector<32x2048xf32>
    %get3A_22 = arith.constant 0 : index
    %get3A_23 = arith.constant 0 : index
    %get3A_24 = vector.load %arg6[%get3A_22, %get3A_23] : memref<1000x32xf32, #tpu.memory_space<vmem>>, vector<1000x32xf32>
    %dot_general3A_25 = arith.constant dense<0.000000e+00> : vector<1000x2048xf32>
    %dot_general3A_26 = tpu.matmul %get3A_24, %add3A_21, %dot_general3A_25 {dimension_numbers = #tpu.dot_dimension_numbers<[1], [0], [0], [1], [0, 0, 1, 1], [], []>, transpose_lhs_hint = false} : vector<1000x32xf32>, vector<32x2048xf32>, vector<1000x2048xf32> -> vector<1000x2048xf32>
    %reduce_max3A = arith.constant dense<0xFF800000> : vector<2048xf32>
    %reduce_max3A_27 = vector.multi_reduction <maximumf>, %dot_general3A_26, %reduce_max3A [0] : vector<1000x2048xf32> to vector<2048xf32>
    %broadcast_in_dim3A = vector.shape_cast %reduce_max3A_27 : vector<2048xf32> to vector<1x2048xf32>
    %sub3A = vector.broadcast %broadcast_in_dim3A : vector<1x2048xf32> to vector<1000x2048xf32>
    %sub3A_28 = arith.subf %dot_general3A_26, %sub3A : vector<1000x2048xf32>
    %exp3A = math.exp %sub3A_28 : vector<1000x2048xf32>
    %reduce_sum3A = arith.constant dense<0.000000e+00> : vector<2048xf32>
    %reduce_sum3A_29 = vector.multi_reduction <add>, %exp3A, %reduce_sum3A [0] : vector<1000x2048xf32> to vector<2048xf32>
    %broadcast_in_dim3A_30 = vector.shape_cast %reduce_sum3A_29 : vector<2048xf32> to vector<1x2048xf32>
    %div3A = vector.broadcast %broadcast_in_dim3A_30 : vector<1x2048xf32> to vector<1000x2048xf32>
    %div3A_31 = arith.divf %exp3A, %div3A : vector<1000x2048xf32>
    %swap3A = arith.constant 0 : index
    %swap3A_32 = arith.constant 0 : index
    %swap3A_33 = vector.load %arg8[%swap3A, %swap3A_32] : memref<1000x2048xf32, #tpu.memory_space<vmem>>, vector<1000x2048xf32>
    tpu.vector_store %arg8[%swap3A, %swap3A_32], %div3A_31 {strides = array<i32>} : memref<1000x2048xf32, #tpu.memory_space<vmem>>, vector<1000x2048xf32>,
    return
  }
  func.func @transform_0(%arg0: i32) -> (i32, i32) {
    %c0_i32 = arith.constant 0 : i32
    %c0_i32_0 = arith.constant 0 : i32
    return %arg0, %c0_i32 : i32, i32
  }
  func.func @transform_1(%arg0: i32) -> (i32, i32) {
    %c0_i32 = arith.constant 0 : i32
    %c0_i32_0 = arith.constant 0 : i32
    %c0_i32_1 = arith.constant 0 : i32
    return %c0_i32, %c0_i32_0 : i32, i32
  }
  func.func @transform_2(%arg0: i32) -> (i32, i32) {
    %c0_i32 = arith.constant 0 : i32
    %c0_i32_0 = arith.constant 0 : i32
    %c0_i32_1 = arith.constant 0 : i32
    return %c0_i32, %c0_i32_0 : i32, i32
  }
  func.func @transform_3(%arg0: i32) -> (i32, i32) {
    %c0_i32 = arith.constant 0 : i32
    %c0_i32_0 = arith.constant 0 : i32
    %c0_i32_1 = arith.constant 0 : i32
    return %c0_i32, %c0_i32_0 : i32, i32
  }
  func.func @transform_4(%arg0: i32) -> (i32, i32) {
    %c0_i32 = arith.constant 0 : i32
    %c0_i32_0 = arith.constant 0 : i32
    %c0_i32_1 = arith.constant 0 : i32
    return %c0_i32, %c0_i32_0 : i32, i32
  }
  func.func @transform_5(%arg0: i32) -> (i32, i32) {
    %c0_i32 = arith.constant 0 : i32
    %c0_i32_0 = arith.constant 0 : i32
    %c0_i32_1 = arith.constant 0 : i32
    return %c0_i32, %c0_i32_0 : i32, i32
  }
  func.func @transform_7(%arg0: i32) -> (i32, i32) {
    %add3A = arith.constant 4 : i32
    %add3A_0 = arith.addi %add3A, %arg0 : i32
    %c0_i32 = arith.constant 0 : i32
    %c0_i32_1 = arith.constant 0 : i32
    return %c0_i32, %add3A_0 : i32, i32
  }
}

</mosaic_0001>

<sc_bundles>
// kernel: kernel.11.cloned.1.call-start
scs
__scs_entry_jumppad:
0x0: {  	(pc) =	sbr.rel $0x88, $3  }
0x1: {  	(tag) =	ssettag $0x0;
	lr =	simm.s32 $0x1  }
0x2: {  	[smem:$0x3F9A] =	sst lr;
	_ =	strace $0xD0000000  }
0x3: {  	_ = 	snop  }
0x4: {  	_ = 	snop  }
0x5: {  	_ = 	snop  }
0x6: {  	_ = 	snop  }
0x7: {  	_ = 	snop  }
__scs_overlays_trampoline_lowered:
0x8: {  	[smem:$0x3FA9] =	sst s0  }
0x9: {  	[smem:$0x3FAA] =	sst s1  }
0xa: {  	[smem:$0x3FAB] =	sst s2  }
0xb: {  	[smem:$0x3FAC] =	sst s3  }
0xc: {  	[smem:$0x3FAD] =	sst s4  }
0xd: {  	[smem:$0x3FAE] =	sst s5  }
0xe: {  	[smem:$0x3FAF] =	sst s6  }
0xf: {  	[smem:$0x3FB0] =	sst s7  }
0x10: {  	[smem:$0x3FB1] =	sst s8  }
0x11: {  	[smem:$0x3FB2] =	sst s9;
	s0 =	simm.s32 @!p0 $0x0  }
0x12: {  	s1 =	sld [smem:$0x3F98];
	s0 =	simm.s32 @p0 $0x1  }
0x13: {  	[smem:$0x3FB3] =	sst s0;
	s0 =	simm.s32 @!p1 $0x0  }
0x14: {  	s2 =	sld [smem:$0x3F97];
	s0 =	simm.s32 @p1 $0x1  }
0x15: {  	[smem:$0x3FB4] =	sst s0;
	s0 =	simm.s32 @!p2 $0x0  }
0x16: {  	s3 =	sld [smem:$0x3FDB];
	s0 =	simm.s32 @p2 $0x1  }
0x17: {  	s4 =	simm.s32 $0x1BF5;
	[smem:$0x3FB6] =	sst s0  }
0x18: {  	s0 =	sld [smem:$0x3F99];
	_ =	swait.ge [sflag:s4], $0x0  }
0x19: {  	s7 =	sld [smem:$0x3F9A]  }
0x1a: {  	s8 =	sadd.s32 $0xFFFFE003, lr  }
0x1b: {  	s9 =	sadd.s32 $0xFFFFFEF7, lr;
	s5 =	simm.s32 $0xFFFFFFFF;
	p2 =	slt.u32 s8, $0xFFFFF086  }
0x1c: {  	p1 =	slt.u32 s9, $0xF7A;
	s5 =	simm.s32 @!p2 $0x0  }
0x1d: {  	s5 =	simm.s32 @p1 $0x1;
	p0 =	seq.s32 s7, s2  }
0x1e: {  	s7 =	smul.u32 @!p0 $0xF7A, s2;
	p2 =	seq.s32 @!p0 s5, $0x0  }
0x1f: {  	s9 =	smul.u32 $0xF7A, s1;
	s8 =	simm.s32 @!p0 $0x1BF5;
	p2 =	por !p2, p0  }
0x20: {  	[sflag:s8] =	ssyncset.s32 @!p0 $0xFFFFF086;
	s6 =	sadd.s32 @!p0 s3, s7;
	s7 =	simm.s32 @!p0 $0x108  }
0x21: {  	s3 =	sadd.s32 s3, s9;
	s6 =	sadd.s32 @!p0 $0x88, s6;
	s7 =	simm.s32 @p2 $0x1082  }
0x22: {  	[simem:s7], [sflag:s8] =	dma.local @!p0 [hbm:s6], $0xF7A  }
0x23: {  	s9 =	sor.u32 $0xD0000000, s2;
	s6 =	simm.s32 $0x108;
	_ =	swait.ge @!p0 [sflag:s8], $0x0  }
0x24: {  	s3 =	sadd.s32 $0x88, s3;
	s6 =	simm.s32 @!p1 $0x1082;
	[sflag:s4] =	ssyncset.s32 $0xFFFFF086  }
0x25: {  	[simem:s6], [sflag:s4] =	dma.local [hbm:s3], $0xF7A  }
0x26: {  	[smem:$0x3F9A] =	sst s1;
	(tag) =	ssettag s2;
	_ =	strace s9  }
0x27: {  	s1 =	sld [smem:$0x3FAA]  }
0x28: {  	s2 =	sld [smem:$0x3FAB]  }
0x29: {  	s4 =	sld [smem:$0x3FAD]  }
0x2a: {  	p0 =	seq.s32 s5, $0x0;
	s5 =	sld [smem:$0x3FAE]  }
0x2b: {  	s6 =	sld [smem:$0x3FAF]  }
0x2c: {  	s7 =	sld [smem:$0x3FB0]  }
0x2d: {  	s3 =	simm.s32 $0x108;
	s8 =	sld [smem:$0x3FB1]  }
0x2e: {  	s3 =	simm.s32 @!p0 $0x1082;
	s9 =	sld [smem:$0x3FB2]  }
0x2f: {  	lr =	sadd.s32 s0, s3;
	s0 =	sld [smem:$0x3FA9]  }
0x30: {  	s3 =	sld [smem:$0x3FAC]  }
0x31: {  	[smem:$0x3FB5] =	sst s10  }
0x32: {  	s10 =	sld [smem:$0x3FB3];
	_ =	sdelay $0x3  }
0x33: {  	p0 =	seq.s32 s10, $0x1;
	s10 =	sld [smem:$0x3FB5];
	_ =	sdelay $0x3  }
0x34: {  	[smem:$0x3FB5] =	sst s10  }
0x35: {  	s10 =	sld [smem:$0x3FB4];
	_ =	sdelay $0x3  }
0x36: {  	p1 =	seq.s32 s10, $0x1;
	s10 =	sld [smem:$0x3FB5];
	_ =	sdelay $0x3  }
0x37: {  	[smem:$0x3FB5] =	sst s10  }
0x38: {  	s10 =	sld [smem:$0x3FB6]  }
0x39: {  	_ = 	snop;
	(pc) =	sbr.ind lr, $3  }
0x3a: {  	_ = 	snop  }
0x3b: {  	_ = 	snop  }
0x3c: {  	p2 =	seq.s32 s10, $0x1;
	s10 =	sld [smem:$0x3FB5]  }
0x3d: {  	_ =	shalt  }
0x3e: {  	_ =	shalt  }
0x3f: {  	_ =	shalt  }
0x40: {  	_ =	shalt  }
0x41: {  	_ =	shalt  }
0x42: {  	_ =	shalt  }
0x43: {  	_ =	shalt  }
0x44: {  	_ =	shalt  }
0x45: {  	_ =	shalt  }
0x46: {  	_ =	shalt  }
0x47: {  	_ =	shalt  }
0x48: {  	_ =	shalt  }
0x49: {  	_ =	shalt  }
0x4a: {  	_ =	shalt  }
0x4b: {  	_ =	shalt  }
0x4c: {  	_ =	shalt  }
0x4d: {  	_ =	shalt  }
0x4e: {  	_ =	shalt  }
0x4f: {  	_ =	shalt  }
0x50: {  	_ =	shalt  }
0x51: {  	_ =	shalt  }
0x52: {  	_ =	shalt  }
0x53: {  	_ =	shalt  }
0x54: {  	_ =	shalt  }
0x55: {  	_ =	shalt  }
0x56: {  	_ =	shalt  }
0x57: {  	_ =	shalt  }
0x58: {  	_ =	shalt  }
0x59: {  	_ =	shalt  }
0x5a: {  	_ =	shalt  }
0x5b: {  	_ =	shalt  }
0x5c: {  	_ =	shalt  }
0x5d: {  	_ =	shalt  }
0x5e: {  	_ =	shalt  }
0x5f: {  	_ =	shalt  }
0x60: {  	_ =	shalt  }
0x61: {  	_ =	shalt  }
0x62: {  	_ =	shalt  }
0x63: {  	_ =	shalt  }
0x64: {  	_ =	shalt  }
0x65: {  	_ =	shalt  }
0x66: {  	_ =	shalt  }
0x67: {  	_ =	shalt  }
0x68: {  	_ =	shalt  }
0x69: {  	_ =	shalt  }
0x6a: {  	_ =	shalt  }
0x6b: {  	_ =	shalt  }
0x6c: {  	_ =	shalt  }
0x6d: {  	_ =	shalt  }
0x6e: {  	_ =	shalt  }
0x6f: {  	_ =	shalt  }
0x70: {  	_ =	shalt  }
0x71: {  	_ =	shalt  }
0x72: {  	_ =	shalt  }
0x73: {  	_ =	shalt  }
0x74: {  	_ =	shalt  }
0x75: {  	_ =	shalt  }
0x76: {  	_ =	shalt  }
0x77: {  	_ =	shalt  }
0x78: {  	_ =	shalt  }
0x79: {  	_ =	shalt  }
0x7a: {  	_ =	shalt  }
0x7b: {  	_ =	shalt  }
0x7c: {  	_ =	shalt  }
0x7d: {  	_ =	shalt  }
0x7e: {  	_ =	shalt  }
0x7f: {  	_ =	shalt  }
0x80: {  	_ =	shalt  }
0x81: {  	_ =	shalt  }
0x82: {  	_ =	shalt  }
0x83: {  	_ =	shalt  }
0x84: {  	_ =	shalt  }
0x85: {  	_ =	shalt  }
0x86: {  	_ =	shalt  }
0x87: {  	_ =	shalt  }
.Lfunc_end0:
.L_simem_size_0:
called_computation.1_lowered:
.L_overlay_start_0:
0x88: {  	s2 =	sld [smem:$0x3FD9]  }
0x89: {  	s3 =	sld [smem:$0x3FFE];
	_ =	sdelay $0x1  }
0x8a: {  	s1 =	srdreg.scid  }
0x8b: {  	s0 =	sand.u32 $0x1, s1  }
0x8c: {  	s16 =	sshll.u32 s0, $0xA;
	s2 =	sadd.s32 s3, s2  }
0x8d: {  	s2 =	sadd.s32 s2, s16  }
0x8e: {  	[smem:$0x3FC1] =	sst s2  }
0x8f: {  	_ = 	snop  }
0x90: {  	(tm) =	ssettm $0x1  }
0x91: {  	s17 =	sld [smem:$0x3FFB];
	_ =	sdelay $0x3  }
0x92: {  	_ =	strace s17  }
0x93: {  	s2 =	sld [smem:$0x3FFC];
	_ =	sdelay $0x3  }
0x94: {  	_ =	strace s2  }
0x95: {  	s2 =	sld [smem:$0x3FFD];
	_ =	sdelay $0x3  }
0x96: {  	_ =	strace s2  }
0x97: {  	_ =	strace $0x8FFFFFFF  }
0x98: {  	s18 =	sld [smem:$0x3FDB];
	_ =	sdelay $0x1  }
0x99: {  	s19 =	simm.s32 $_scs_section_size  }
0x9a: {  	s4 =	simm.s32 $_size__tile_overlayer_lowered;
	s5 =	simm.s32 $_tile_overlayer_lowered  }
0x9b: {  	s22 =	simm.s32 $0x1BFF;
	s21 =	sshll.u32 s5, $0x1;
	s2 =	sadd.s32 s19, s18  }
0x9c: {  	s6 =	simm.s32 $0x0;
	s20 =	sshll.u32 s4, $0x1;
	s4 =	sadd.s32 s21, s2  }
0x9d: {  	[timem:s6], [sflag:s22] =	dma.local [hbm:s4], s20  }
0x9e: {  	_ =	swait.ge [sflag:s22], s20  }
0x9f: {  	s3 =	ssub.s32 $0x0, s20;
	[sflag:s22] =	ssyncset.done $0x0  }
0xa0: {  	[sflag:s22] =	ssyncadd.s32 s3;
	_ =	sdelay $0x1  }
0xa1: {  	s23 =	simm.s32 $0x1B8B  }
0xa2: {  	_ =	swait.ge [sflag:s23], $0x1  }
0xa3: {  	[sflag:s23] =	ssyncset.done $0x0  }
0xa4: {  	s25 =	simm.s32 $0x1B8E;
	s24 =	sld [smem:$0x3FFE];
	[sflag:s23] =	ssyncadd.s32 $0xFFFFFFFF  }
0xa5: {  	s26 =	simm.s32 $execute0_lowered;
	[smem:$0x3FD2] =	sst s25  }
0xa6: {  	s4 =	sshll.u32 s26, $0x1;
	_ =	strace $0x80000046;
	[dreg:$0x1] =	wrdreg $0xFFFFFFFF  }
0xa7: {  	s28 =	simm.s32 $_size_execute0_lowered;
	s2 =	sadd.s32 s2, s4;
	[dreg:$0x0] =	wrdreg $0x0  }
0xa8: {  	s4 =	sshll.u32 s28, $0x1;
	[dreg:$0x2] =	wrdreg s2  }
0xa9: {  	[dreg:$0x3] =	wrdreg s4  }
0xaa: {  	[dreg:$0x4] =	wrdreg $0xC0  }
0xab: {  	_ =	task [dreg:s6], $0x5FFFF  }
0xac: {  	[dreg:$0x1] =	wrdreg $0xFFFFFFFF  }
0xad: {  	[dreg:$0x0] =	wrdreg $0x60  }
0xae: {  	[dreg:$0x2] =	wrdreg s24  }
0xaf: {  	[dreg:$0x3] =	wrdreg $0xA  }
0xb0: {  	_ =	task.clear_ibuf [dreg:s6], $0x4FFFF;
	_ =	strace $0x90000046  }
0xb1: {  	s29 =	simm.s32 $0xA;
	_ =	strace $0x80000048  }
0xb2: {  	_ =	swait.ge [sflag:s29], $0x1  }
0xb3: {  	[sflag:s29] =	ssyncadd.s32 $0xFFFFFFFF  }
0xb4: {  	_ =	strace $0x90000048  }
0xb5: {  	_ =	sfence  }
0xb6: {  	s30 =	sld [smem:$0x0];
	_ =	sdelay $0x2  }
0xb7: {  	s31 =	sshll.u32 s1, $0xD;
	s1 =	sshrl.u32 s1, $0x2  }
0xb8: {  	s3 =	sand.u32 $0x4000, s31;
	s1 =	sadd.s32 s1, s30  }
0xb9: {  	s0 =	sor.u32 s3, s0;
	s1 =	sshll.u32 s1, $0x11  }
0xba: {  	s0 =	sor.u32 s1, s0  }
0xbb: {  	s0 =	sadd.s32 $0x8F2B, s0  }
0xbc: {  	[sflag:s0] =	ssyncadd.remote.s32 $0x1  }
0xbd: {  	_ =	sfence.sel $0xFFFF  }
0xbe: {  	[dreg:$0x0] =	wrdreg $0xFFFFFFFF;
	(pc) =	sbr.abs _section_cstart, $3  }
0xbf: {  	[dreg:$0x1] =	wrdreg $0xFFFFFFFF  }
0xc0: {  	_ =	task.clear_ibuf [dreg:s6], $0x2FFFF;
	_ =	strace $0x9FFFFFFF  }
0xc1: {  	(tm) =	ssettm $0x7FFFFFFF  }
tec
execute0_lowered:
.L_overlay_start_1:
0x0: {  	(tag) =	ssettag $0x1  }
0x1: {  	s1 =	srdreg.scid  }
0x2: {  	s0 =	stileid.u32;
	s10 =	sand.u32 $0x1, s1  }
0x3: {  	s29 =	sshll.u32 s0, $0x9;
	s2 =	sshll.u32 s10, $0x8  }
0x4: {  	s11 =	rddreg [dreg:$0x0];
	s12 =	sor.u32 s2, s29  }
0x5: {  	s1 =	rddreg [dreg:$0x1];
	s2 =	simm.s32 $0x0;
	s3 =	sshrl.u32 s12, $0x3  }
0x6: {  	[smem:$0x7FF] =	sst s2;
	s3 =	sadd.s32 s3, s11  }
0x7: {  	_ =	strace $0x80000047;
	s4 =	sadd.s32 $0x1800, s3;
	s3 =	simm.s32 $0x2  }
0x8: {  	[tilespmem:s2], [sflag:$0x2] =	stream.linear.gather [hbm4b:s4+s2], $0x100, $0x38;
	[tilespmem:$0x1100] =	vst v63  }
0x9: {  	_ =	swait.ge [sflag:s3], $0x100  }
0xa: {  	s6 =	simm.s32 $0x80;
	[sflag:s3] =	ssyncset.done $0x0  }
0xb: {  	s7 =	simm.s32 $0x100;
	s5 =	sadd.s32 $0x1C00, s11;
	[sflag:s3] =	ssyncadd.s32 $0xFFFFFF00  }
0xc: {  	[tilespmem:s7], [sflag:$0x1] =	stream.indirect.gather [hbm4b:s5+s6], $0x10, s2, s6, $0xb8;
	[tilespmem:$0x1100] =	vst v63  }
0xd: {  	s8 =	simm.s32 $0x900;
	s9 =	simm.s32 $0x1;
	s10 =	ssub.s32 $0x2, s10  }
0xe: {  	[tilespmem:s8], [sflag:$0x1] =	stream.indirect.gather [hbm4b:s5+s6], $0x10, s6, s6, $0xb8;
	[tilespmem:$0x1100] =	vst v63  }
0xf: {  	s13 =	sshrl.u32 s10, $0x1;
	_ =	swait.ge [sflag:s9], $0x800  }
0x10: {  	s30 =	ssub.s32 s10, s13;
	[sflag:s9] =	ssyncset.done $0x0  }
0x11: {  	s31 =	smax.u32 s30, $0x1;
	[sflag:s9] =	ssyncadd.s32 $0xFFFFF800  }
0x12: {  	s12 =	sshll.u32 s12, $0x1;
	p0 =	sne.s32 s31, $0x1;
	_ =	swait.ge [sflag:s9], $0x800  }
.Ltmp0:
0x13: {  	s11 =	sadd.s32 s12, s11;
	[sflag:s9] =	ssyncset.done $0x0;
	(pc) =	sbr.rel @!p0 .LBB2_2-.Ltmp0, $4  }
0x14: {  	s10 =	sadd.s32 $0x2400, s11;
	[sflag:s9] =	ssyncadd.s32 $0xFFFFF800  }
0x15: {  	[hbm4b:s10+s2] =	stream.linear.scatter [tilespmem:s7], [sflag:$0x2], $0x1000, $0x38;
	[tilespmem:$0x1100] =	vst v63  }
0x16: {  	_ =	swait.ge [sflag:s3], $0x1000  }
0x17: {  	s11 =	sadd.s32 $0xFFFFFFFF, s31;
	[sflag:s3] =	ssyncset.done $0x0  }
.LBB2_1:
0x18: {  	p0 =	sne.s32 s11, $0x1;
	s11 =	sadd.s32 $0xFFFFFFFF, s11;
	[sflag:s3] =	ssyncadd.s32 $0xFFFFF000  }
0x19: {  	[tilespmem:s2], [sflag:$0x2] =	stream.linear.gather [hbm4b:s4+s2], $0x100, $0x38;
	[tilespmem:$0x1100] =	vst v63  }
0x1a: {  	_ =	swait.ge [sflag:s3], $0x100  }
0x1b: {  	[sflag:s3] =	ssyncset.done $0x0  }
0x1c: {  	[sflag:s3] =	ssyncadd.s32 $0xFFFFFF00  }
0x1d: {  	[tilespmem:s7], [sflag:$0x1] =	stream.indirect.gather [hbm4b:s5+s6], $0x10, s2, s6, $0xb8;
	[tilespmem:$0x1100] =	vst v63  }
0x1e: {  	_ = 	snop  }
0x1f: {  	[tilespmem:s8], [sflag:$0x1] =	stream.indirect.gather [hbm4b:s5+s6], $0x10, s6, s6, $0xb8;
	[tilespmem:$0x1100] =	vst v63  }
0x20: {  	_ =	swait.ge [sflag:s9], $0x800  }
0x21: {  	[sflag:s9] =	ssyncset.done $0x0  }
0x22: {  	[sflag:s9] =	ssyncadd.s32 $0xFFFFF800  }
0x23: {  	_ =	swait.ge [sflag:s9], $0x800  }
.Ltmp1:
0x24: {  	[sflag:s9] =	ssyncset.done $0x0;
	(pc) =	sbr.rel @p0 .LBB2_1-.Ltmp1, $4  }
0x25: {  	[sflag:s9] =	ssyncadd.s32 $0xFFFFF800  }
0x26: {  	[hbm4b:s10+s2] =	stream.linear.scatter [tilespmem:s7], [sflag:$0x2], $0x1000, $0x38;
	[tilespmem:$0x1100] =	vst v63  }
0x27: {  	_ =	swait.ge [sflag:s3], $0x1000  }
0x28: {  	[sflag:s3] =	ssyncset.done $0x0  }
.LBB2_2:
0x29: {  	[sflag:s3] =	ssyncadd.s32 $0xFFFFF000  }
0x2a: {  	_ =	sfence.sel $0x180000  }
0x2b: {  	[bflag:$0x0] =	sbarrier.arrive $0xFFFF  }
0x2c: {  	p0 =	sne.s32 s0, $0x0;
	_ =	strace $0x90000047  }
0x2d: {  	s0 =	sadd.s32 @!p0 $0x100000, s1;
	[bflag:$0x2] =	sbarrier.arrive $0xFFFF  }
0x2e: {  	[sflag:s0] =	ssyncadd.tile.s32 @!p0 $0x1;
	_ =	shalt  }
.Lfunc_end2:
_tile_overlayer_lowered:
.L_overlay_start_2:
0x2f: {  	(tag) =	ssettag $0x2  }
0x30: {  	s0 =	rddreg [dreg:$0x0];
	s2 =	stileid.u32  }
0x31: {  	s1 =	rddreg [dreg:$0x1];
	p0 =	sne.s32 s2, $0x0  }
0x32: {  	s3 =	rddreg [dreg:$0x2];
	[bflag:$0x3] =	sbarrier.arrive $0xFFFF;
	s2 =	simm.s32 @!p0 $0x1C02  }
0x33: {  	[timem:s3], [sflag:s2] =	dma.local @!p0 [hbm:s0], s1  }
0x34: {  	s0 =	simm.s32 @!p0 $0x2  }
0x35: {  	_ =	swait.ge @!p0 [sflag:s0], s1  }
0x36: {  	s1 =	ssub.s32 @!p0 $0x0, s1;
	[sflag:s0] =	ssyncset.done @!p0 $0x0  }
0x37: {  	[sflag:s0] =	ssyncadd.s32 @!p0 s1  }
0x38: {  	[bflag:$0x3] =	sbarrier.arrive $0xFFFF  }
0x39: {  	_ =	shalt  }

// kernel: kernel.8.cloned.1.call-start
scs
__scs_entry_jumppad:
0x0: {  	(pc) =	sbr.rel $0x88, $3  }
0x1: {  	(tag) =	ssettag $0x0;
	lr =	simm.s32 $0x1  }
0x2: {  	[smem:$0x3F9A] =	sst lr;
	_ =	strace $0xD0000000  }
0x3: {  	_ = 	snop  }
0x4: {  	_ = 	snop  }
0x5: {  	_ = 	snop  }
0x6: {  	_ = 	snop  }
0x7: {  	_ = 	snop  }
__scs_overlays_trampoline_lowered:
0x8: {  	[smem:$0x3FA9] =	sst s0  }
0x9: {  	[smem:$0x3FAA] =	sst s1  }
0xa: {  	[smem:$0x3FAB] =	sst s2  }
0xb: {  	[smem:$0x3FAC] =	sst s3  }
0xc: {  	[smem:$0x3FAD] =	sst s4  }
0xd: {  	[smem:$0x3FAE] =	sst s5  }
0xe: {  	[smem:$0x3FAF] =	sst s6  }
0xf: {  	[smem:$0x3FB0] =	sst s7  }
0x10: {  	[smem:$0x3FB1] =	sst s8  }
0x11: {  	[smem:$0x3FB2] =	sst s9;
	s0 =	simm.s32 @!p0 $0x0  }
0x12: {  	s1 =	sld [smem:$0x3F98];
	s0 =	simm.s32 @p0 $0x1  }
0x13: {  	[smem:$0x3FB3] =	sst s0;
	s0 =	simm.s32 @!p1 $0x0  }
0x14: {  	s2 =	sld [smem:$0x3F97];
	s0 =	simm.s32 @p1 $0x1  }
0x15: {  	[smem:$0x3FB4] =	sst s0;
	s0 =	simm.s32 @!p2 $0x0  }
0x16: {  	s3 =	sld [smem:$0x3FDB];
	s0 =	simm.s32 @p2 $0x1  }
0x17: {  	s4 =	simm.s32 $0x1BF5;
	[smem:$0x3FB6] =	sst s0  }
0x18: {  	s0 =	sld [smem:$0x3F99];
	_ =	swait.ge [sflag:s4], $0x0  }
0x19: {  	s7 =	sld [smem:$0x3F9A]  }
0x1a: {  	s8 =	sadd.s32 $0xFFFFE003, lr  }
0x1b: {  	s9 =	sadd.s32 $0xFFFFFEF7, lr;
	s5 =	simm.s32 $0xFFFFFFFF;
	p2 =	slt.u32 s8, $0xFFFFF086  }
0x1c: {  	p1 =	slt.u32 s9, $0xF7A;
	s5 =	simm.s32 @!p2 $0x0  }
0x1d: {  	s5 =	simm.s32 @p1 $0x1;
	p0 =	seq.s32 s7, s2  }
0x1e: {  	s7 =	smul.u32 @!p0 $0xF7A, s2;
	p2 =	seq.s32 @!p0 s5, $0x0  }
0x1f: {  	s9 =	smul.u32 $0xF7A, s1;
	s8 =	simm.s32 @!p0 $0x1BF5;
	p2 =	por !p2, p0  }
0x20: {  	[sflag:s8] =	ssyncset.s32 @!p0 $0xFFFFF086;
	s6 =	sadd.s32 @!p0 s3, s7;
	s7 =	simm.s32 @!p0 $0x108  }
0x21: {  	s3 =	sadd.s32 s3, s9;
	s6 =	sadd.s32 @!p0 $0x88, s6;
	s7 =	simm.s32 @p2 $0x1082  }
0x22: {  	[simem:s7], [sflag:s8] =	dma.local @!p0 [hbm:s6], $0xF7A  }
0x23: {  	s9 =	sor.u32 $0xD0000000, s2;
	s6 =	simm.s32 $0x108;
	_ =	swait.ge @!p0 [sflag:s8], $0x0  }
0x24: {  	s3 =	sadd.s32 $0x88, s3;
	s6 =	simm.s32 @!p1 $0x1082;
	[sflag:s4] =	ssyncset.s32 $0xFFFFF086  }
0x25: {  	[simem:s6], [sflag:s4] =	dma.local [hbm:s3], $0xF7A  }
0x26: {  	[smem:$0x3F9A] =	sst s1;
	(tag) =	ssettag s2;
	_ =	strace s9  }
0x27: {  	s1 =	sld [smem:$0x3FAA]  }
0x28: {  	s2 =	sld [smem:$0x3FAB]  }
0x29: {  	s4 =	sld [smem:$0x3FAD]  }
0x2a: {  	p0 =	seq.s32 s5, $0x0;
	s5 =	sld [smem:$0x3FAE]  }
0x2b: {  	s6 =	sld [smem:$0x3FAF]  }
0x2c: {  	s7 =	sld [smem:$0x3FB0]  }
0x2d: {  	s3 =	simm.s32 $0x108;
	s8 =	sld [smem:$0x3FB1]  }
0x2e: {  	s3 =	simm.s32 @!p0 $0x1082;
	s9 =	sld [smem:$0x3FB2]  }
0x2f: {  	lr =	sadd.s32 s0, s3;
	s0 =	sld [smem:$0x3FA9]  }
0x30: {  	s3 =	sld [smem:$0x3FAC]  }
0x31: {  	[smem:$0x3FB5] =	sst s10  }
0x32: {  	s10 =	sld [smem:$0x3FB3];
	_ =	sdelay $0x3  }
0x33: {  	p0 =	seq.s32 s10, $0x1;
	s10 =	sld [smem:$0x3FB5];
	_ =	sdelay $0x3  }
0x34: {  	[smem:$0x3FB5] =	sst s10  }
0x35: {  	s10 =	sld [smem:$0x3FB4];
	_ =	sdelay $0x3  }
0x36: {  	p1 =	seq.s32 s10, $0x1;
	s10 =	sld [smem:$0x3FB5];
	_ =	sdelay $0x3  }
0x37: {  	[smem:$0x3FB5] =	sst s10  }
0x38: {  	s10 =	sld [smem:$0x3FB6]  }
0x39: {  	_ = 	snop;
	(pc) =	sbr.ind lr, $3  }
0x3a: {  	_ = 	snop  }
0x3b: {  	_ = 	snop  }
0x3c: {  	p2 =	seq.s32 s10, $0x1;
	s10 =	sld [smem:$0x3FB5]  }
0x3d: {  	_ =	shalt  }
0x3e: {  	_ =	shalt  }
0x3f: {  	_ =	shalt  }
0x40: {  	_ =	shalt  }
0x41: {  	_ =	shalt  }
0x42: {  	_ =	shalt  }
0x43: {  	_ =	shalt  }
0x44: {  	_ =	shalt  }
0x45: {  	_ =	shalt  }
0x46: {  	_ =	shalt  }
0x47: {  	_ =	shalt  }
0x48: {  	_ =	shalt  }
0x49: {  	_ =	shalt  }
0x4a: {  	_ =	shalt  }
0x4b: {  	_ =	shalt  }
0x4c: {  	_ =	shalt  }
0x4d: {  	_ =	shalt  }
0x4e: {  	_ =	shalt  }
0x4f: {  	_ =	shalt  }
0x50: {  	_ =	shalt  }
0x51: {  	_ =	shalt  }
0x52: {  	_ =	shalt  }
0x53: {  	_ =	shalt  }
0x54: {  	_ =	shalt  }
0x55: {  	_ =	shalt  }
0x56: {  	_ =	shalt  }
0x57: {  	_ =	shalt  }
0x58: {  	_ =	shalt  }
0x59: {  	_ =	shalt  }
0x5a: {  	_ =	shalt  }
0x5b: {  	_ =	shalt  }
0x5c: {  	_ =	shalt  }
0x5d: {  	_ =	shalt  }
0x5e: {  	_ =	shalt  }
0x5f: {  	_ =	shalt  }
0x60: {  	_ =	shalt  }
0x61: {  	_ =	shalt  }
0x62: {  	_ =	shalt  }
0x63: {  	_ =	shalt  }
0x64: {  	_ =	shalt  }
0x65: {  	_ =	shalt  }
0x66: {  	_ =	shalt  }
0x67: {  	_ =	shalt  }
0x68: {  	_ =	shalt  }
0x69: {  	_ =	shalt  }
0x6a: {  	_ =	shalt  }
0x6b: {  	_ =	shalt  }
0x6c: {  	_ =	shalt  }
0x6d: {  	_ =	shalt  }
0x6e: {  	_ =	shalt  }
0x6f: {  	_ =	shalt  }
0x70: {  	_ =	shalt  }
0x71: {  	_ =	shalt  }
0x72: {  	_ =	shalt  }
0x73: {  	_ =	shalt  }
0x74: {  	_ =	shalt  }
0x75: {  	_ =	shalt  }
0x76: {  	_ =	shalt  }
0x77: {  	_ =	shalt  }
0x78: {  	_ =	shalt  }
0x79: {  	_ =	shalt  }
0x7a: {  	_ =	shalt  }
0x7b: {  	_ =	shalt  }
0x7c: {  	_ =	shalt  }
0x7d: {  	_ =	shalt  }
0x7e: {  	_ =	shalt  }
0x7f: {  	_ =	shalt  }
0x80: {  	_ =	shalt  }
0x81: {  	_ =	shalt  }
0x82: {  	_ =	shalt  }
0x83: {  	_ =	shalt  }
0x84: {  	_ =	shalt  }
0x85: {  	_ =	shalt  }
0x86: {  	_ =	shalt  }
0x87: {  	_ =	shalt  }
.Lfunc_end0:
.L_simem_size_0:
called_computation_lowered:
.L_overlay_start_0:
0x88: {  	s2 =	sld [smem:$0x3FD9]  }
0x89: {  	s3 =	sld [smem:$0x3FFE];
	_ =	sdelay $0x1  }
0x8a: {  	s1 =	srdreg.scid  }
0x8b: {  	s0 =	sand.u32 $0x1, s1  }
0x8c: {  	s17 =	sshll.u32 s0, $0xA;
	s2 =	sadd.s32 s3, s2  }
0x8d: {  	s2 =	sadd.s32 s2, s17  }
0x8e: {  	[smem:$0x3FC1] =	sst s2  }
0x8f: {  	_ = 	snop  }
0x90: {  	s18 =	sld [smem:$0x3FD0];
	(tm) =	ssettm $0x1  }
0x91: {  	s19 =	sld [smem:$0x3FFB];
	_ =	sdelay $0x3  }
0x92: {  	_ =	strace s19  }
0x93: {  	s2 =	sld [smem:$0x3FFC];
	_ =	sdelay $0x3  }
0x94: {  	_ =	strace s2  }
0x95: {  	s2 =	sld [smem:$0x3FFD];
	_ =	sdelay $0x3  }
0x96: {  	_ =	strace s2  }
0x97: {  	_ =	strace $0x8FFFFFFF  }
0x98: {  	s20 =	sld [smem:$0x3FDB];
	_ =	sdelay $0x1  }
0x99: {  	s4 =	simm.s32 $_scs_section_size  }
0x9a: {  	s5 =	simm.s32 $_size__tile_overlayer_lowered;
	s6 =	simm.s32 $_tile_overlayer_lowered  }
0x9b: {  	s7 =	simm.s32 $0x1BFF;
	s21 =	sshll.u32 s6, $0x1;
	s4 =	sadd.s32 s4, s20  }
0x9c: {  	s22 =	simm.s32 $0x0;
	s5 =	sshll.u32 s5, $0x1;
	s6 =	sadd.s32 s21, s4  }
0x9d: {  	[timem:s22], [sflag:s7] =	dma.local [hbm:s6], s5  }
0x9e: {  	_ =	swait.ge [sflag:s7], s5  }
0x9f: {  	s5 =	ssub.s32 $0x0, s5;
	[sflag:s7] =	ssyncset.done $0x0  }
0xa0: {  	[sflag:s7] =	ssyncadd.s32 s5;
	_ =	sdelay $0x1  }
0xa1: {  	s23 =	simm.s32 $0x1B8B  }
0xa2: {  	_ =	swait.ge [sflag:s23], $0x1  }
0xa3: {  	[sflag:s23] =	ssyncset.done $0x0  }
0xa4: {  	[sflag:s23] =	ssyncadd.s32 $0xFFFFFFFF  }
0xa5: {  	s5 =	sld [smem:$0x0]  }
0xa6: {  	s6 =	sand.u32 $0xFFFFFFFE, s1  }
0xa7: {  	p0 =	sne.s32 s1, s6  }
0xa8: {  	s6 =	sshll.u32 @p0 s6, $0xE  }
0xa9: {  	s6 =	sadd.s32 @p0 $0x11B8D, s6;
	s7 =	sshll.u32 @p0 s5, $0x11  }
0xaa: {  	s6 =	sor.u32 @p0 s7, s6  }
0xab: {  	[sflag:s6] =	ssyncadd.remote.s32 @p0 $0x1;
	_ =	sdelay $0x1  }
0xac: {  	s6 =	simm.s32 @p0 $0x1B8D  }
0xad: {  	_ =	swait.eq @p0 [sflag:s6], $0x1  }
0xae: {  	[sflag:s6] =	ssyncadd.s32 @p0 $0xFFFFFFFF  }
0xaf: {  	s7 =	sshll.u32 @!p0 s1, $0xE  }
0xb0: {  	s7 =	sor.u32 @!p0 $0x4000, s7;
	s6 =	simm.s32 @!p0 $0x1B8D  }
0xb1: {  	s5 =	sshll.u32 @!p0 s5, $0x11;
	s7 =	sadd.s32 @!p0 $0x11B8D, s7;
	_ =	swait.eq @!p0 [sflag:s6], $0x1  }
0xb2: {  	s5 =	sor.u32 @!p0 s5, s7;
	[sflag:s6] =	ssyncadd.s32 @!p0 $0xFFFFFFFF  }
0xb3: {  	s25 =	simm.s32 $0x1B8E;
	s24 =	sld [smem:$0x3FFE];
	[sflag:s5] =	ssyncadd.remote.s32 @!p0 $0x1  }
0xb4: {  	s26 =	simm.s32 $execute0_lowered;
	[smem:$0x3FD2] =	sst s25  }
0xb5: {  	s6 =	sshll.u32 s26, $0x1;
	_ =	strace $0x80000049;
	[dreg:$0x1] =	wrdreg $0xFFFFFFFF  }
0xb6: {  	s28 =	simm.s32 $_size_execute0_lowered;
	s4 =	sadd.s32 s4, s6;
	[dreg:$0x0] =	wrdreg $0x0  }
0xb7: {  	s6 =	sshll.u32 s28, $0x1;
	[dreg:$0x2] =	wrdreg s4  }
0xb8: {  	[dreg:$0x3] =	wrdreg s6  }
0xb9: {  	[dreg:$0x4] =	wrdreg $0xC0  }
0xba: {  	_ =	task [dreg:s22], $0x5FFFF  }
0xbb: {  	[dreg:$0x1] =	wrdreg $0xFFFFFFFF  }
0xbc: {  	[dreg:$0x0] =	wrdreg $0x60  }
0xbd: {  	[dreg:$0x2] =	wrdreg s24  }
0xbe: {  	[dreg:$0x3] =	wrdreg s18  }
0xbf: {  	[dreg:$0x4] =	wrdreg $0x9  }
0xc0: {  	_ =	task.clear_ibuf [dreg:s22], $0x5FFFF;
	_ =	strace $0x90000049  }
0xc1: {  	s29 =	simm.s32 $0x9;
	_ =	strace $0x8000004B  }
0xc2: {  	_ =	swait.ge [sflag:s29], $0x1  }
0xc3: {  	[sflag:s29] =	ssyncadd.s32 $0xFFFFFFFF  }
0xc4: {  	_ =	strace $0x9000004B  }
0xc5: {  	_ =	sfence  }
0xc6: {  	s30 =	sld [smem:$0x0];
	_ =	sdelay $0x2  }
0xc7: {  	s31 =	sshll.u32 s1, $0xD;
	s1 =	sshrl.u32 s1, $0x2  }
0xc8: {  	s4 =	sand.u32 $0x4000, s31;
	s1 =	sadd.s32 s1, s30  }
0xc9: {  	s0 =	sor.u32 s4, s0;
	s1 =	sshll.u32 s1, $0x11  }
0xca: {  	s0 =	sor.u32 s1, s0  }
0xcb: {  	s0 =	sadd.s32 $0x8F2B, s0  }
0xcc: {  	[sflag:s0] =	ssyncadd.remote.s32 $0x1  }
0xcd: {  	_ =	sfence.sel $0xFFFF  }
0xce: {  	[dreg:$0x0] =	wrdreg $0xFFFFFFFF;
	(pc) =	sbr.abs _section_cstart, $3  }
0xcf: {  	[dreg:$0x1] =	wrdreg $0xFFFFFFFF  }
0xd0: {  	_ =	task.clear_ibuf [dreg:s22], $0x2FFFF;
	_ =	strace $0x9FFFFFFF  }
0xd1: {  	(tm) =	ssettm $0x7FFFFFFF  }
tec
execute0_lowered:
.L_overlay_start_1:
0x0: {  	(tag) =	ssettag $0x1  }
0x1: {  	s1 =	srdreg.scid  }
0x2: {  	s0 =	stileid.u32;
	s10 =	sand.u32 $0x1, s1  }
0x3: {  	s5 =	rddreg [dreg:$0x0];
	s29 =	sshll.u32 s0, $0x9;
	s2 =	sshll.u32 s10, $0x8  }
0x4: {  	s11 =	rddreg [dreg:$0x1];
	s12 =	sor.u32 s2, s29  }
0x5: {  	s1 =	rddreg [dreg:$0x2];
	s2 =	simm.s32 $0x0;
	s3 =	sshrl.u32 s12, $0x3  }
0x6: {  	[smem:$0x7FF] =	sst s2;
	s3 =	sadd.s32 s3, s5  }
0x7: {  	_ =	strace $0x8000004A;
	s4 =	sadd.s32 $0x6400, s3;
	s3 =	simm.s32 $0x2  }
0x8: {  	[tilespmem:s2], [sflag:$0x2] =	stream.linear.gather [hbm4b:s4+s2], $0x100, $0x38;
	[tilespmem:$0x1100] =	vst v63  }
0x9: {  	_ =	swait.ge [sflag:s3], $0x100  }
0xa: {  	s6 =	simm.s32 $0x80;
	[sflag:s3] =	ssyncset.done $0x0  }
0xb: {  	s7 =	simm.s32 $0x100;
	s5 =	sadd.s32 $0x1C00, s5;
	[sflag:s3] =	ssyncadd.s32 $0xFFFFFF00  }
0xc: {  	[tilespmem:s7], [sflag:$0x1] =	stream.indirect.gather [hbm4b:s5+s6], $0x10, s2, s6, $0xb8;
	[tilespmem:$0x1100] =	vst v63  }
0xd: {  	s8 =	simm.s32 $0x900;
	s9 =	simm.s32 $0x1;
	s10 =	ssub.s32 $0x2, s10  }
0xe: {  	[tilespmem:s8], [sflag:$0x1] =	stream.indirect.gather [hbm4b:s5+s6], $0x10, s6, s6, $0xb8;
	[tilespmem:$0x1100] =	vst v63  }
0xf: {  	s13 =	sshrl.u32 s10, $0x1;
	_ =	swait.ge [sflag:s9], $0x800  }
0x10: {  	s13 =	ssub.s32 s10, s13;
	[sflag:s9] =	ssyncset.done $0x0  }
0x11: {  	s31 =	smax.u32 s13, $0x1;
	[sflag:s9] =	ssyncadd.s32 $0xFFFFF800  }
0x12: {  	p0 =	sne.s32 s31, $0x1;
	_ =	swait.ge [sflag:s9], $0x800  }
.Ltmp0:
0x13: {  	s30 =	sshll.u32 s12, $0x1;
	[sflag:s9] =	ssyncset.done $0x0;
	(pc) =	sbr.rel @!p0 .LBB2_2-.Ltmp0, $4  }
0x14: {  	s10 =	sadd.s32 s11, s30;
	[sflag:s9] =	ssyncadd.s32 $0xFFFFF800  }
0x15: {  	[hbm4b:s10+s2] =	stream.linear.scatter [tilespmem:s7], [sflag:$0x2], $0x1000, $0x38;
	[tilespmem:$0x1100] =	vst v63  }
0x16: {  	_ =	swait.ge [sflag:s3], $0x1000  }
0x17: {  	s11 =	sadd.s32 $0xFFFFFFFF, s31;
	[sflag:s3] =	ssyncset.done $0x0  }
.LBB2_1:
0x18: {  	p0 =	sne.s32 s11, $0x1;
	s11 =	sadd.s32 $0xFFFFFFFF, s11;
	[sflag:s3] =	ssyncadd.s32 $0xFFFFF000  }
0x19: {  	[tilespmem:s2], [sflag:$0x2] =	stream.linear.gather [hbm4b:s4+s2], $0x100, $0x38;
	[tilespmem:$0x1100] =	vst v63  }
0x1a: {  	_ =	swait.ge [sflag:s3], $0x100  }
0x1b: {  	[sflag:s3] =	ssyncset.done $0x0  }
0x1c: {  	[sflag:s3] =	ssyncadd.s32 $0xFFFFFF00  }
0x1d: {  	[tilespmem:s7], [sflag:$0x1] =	stream.indirect.gather [hbm4b:s5+s6], $0x10, s2, s6, $0xb8;
	[tilespmem:$0x1100] =	vst v63  }
0x1e: {  	_ = 	snop  }
0x1f: {  	[tilespmem:s8], [sflag:$0x1] =	stream.indirect.gather [hbm4b:s5+s6], $0x10, s6, s6, $0xb8;
	[tilespmem:$0x1100] =	vst v63  }
0x20: {  	_ =	swait.ge [sflag:s9], $0x800  }
0x21: {  	[sflag:s9] =	ssyncset.done $0x0  }
0x22: {  	[sflag:s9] =	ssyncadd.s32 $0xFFFFF800  }
0x23: {  	_ =	swait.ge [sflag:s9], $0x800  }
.Ltmp1:
0x24: {  	[sflag:s9] =	ssyncset.done $0x0;
	(pc) =	sbr.rel @p0 .LBB2_1-.Ltmp1, $4  }
0x25: {  	[sflag:s9] =	ssyncadd.s32 $0xFFFFF800  }
0x26: {  	[hbm4b:s10+s2] =	stream.linear.scatter [tilespmem:s7], [sflag:$0x2], $0x1000, $0x38;
	[tilespmem:$0x1100] =	vst v63  }
0x27: {  	_ =	swait.ge [sflag:s3], $0x1000  }
0x28: {  	[sflag:s3] =	ssyncset.done $0x0  }
.LBB2_2:
0x29: {  	[sflag:s3] =	ssyncadd.s32 $0xFFFFF000  }
0x2a: {  	_ =	sfence.sel $0x180000  }
0x2b: {  	[bflag:$0x0] =	sbarrier.arrive $0xFFFF  }
0x2c: {  	p0 =	sne.s32 s0, $0x0;
	_ =	strace $0x9000004A  }
0x2d: {  	s0 =	sadd.s32 @!p0 $0x100000, s1;
	[bflag:$0x2] =	sbarrier.arrive $0xFFFF  }
0x2e: {  	[sflag:s0] =	ssyncadd.tile.s32 @!p0 $0x1;
	_ =	shalt  }
.Lfunc_end2:
_tile_overlayer_lowered:
.L_overlay_start_2:
0x2f: {  	(tag) =	ssettag $0x2  }
0x30: {  	s0 =	rddreg [dreg:$0x0];
	s2 =	stileid.u32  }
0x31: {  	s1 =	rddreg [dreg:$0x1];
	p0 =	sne.s32 s2, $0x0  }
0x32: {  	s3 =	rddreg [dreg:$0x2];
	[bflag:$0x3] =	sbarrier.arrive $0xFFFF;
	s2 =	simm.s32 @!p0 $0x1C02  }
0x33: {  	[timem:s3], [sflag:s2] =	dma.local @!p0 [hbm:s0], s1  }
0x34: {  	s0 =	simm.s32 @!p0 $0x2  }
0x35: {  	_ =	swait.ge @!p0 [sflag:s0], s1  }
0x36: {  	s1 =	ssub.s32 @!p0 $0x0, s1;
	[sflag:s0] =	ssyncset.done @!p0 $0x0  }
0x37: {  	[sflag:s0] =	ssyncadd.s32 @!p0 s1  }
0x38: {  	[bflag:$0x3] =	sbarrier.arrive $0xFFFF  }
0x39: {  	_ =	shalt  }

</sc_bundles>
